<compile_context>
chip_gen: v7x
topology: tpu7x:2x2x1
jax: 0.10.2.dev20260603
libtpu: 0.0.44.dev20260713+nightly
codegen_flags: <defaults>
</compile_context>

<pallas_src>
import functools

import jax
import jax.numpy as jnp
from jax import lax
from jax.experimental import pallas as pl
from jax.experimental.pallas import tpu as pltpu
from jax.experimental.pallas import tpu_sc as plsc

_N_ROWS = 16384
_N_CLASSES = 5
_L = 16
_NC = 2
_NS = 16
_NW = _NC * _NS
_ROWS_PER_W = _N_ROWS // _NW
_GROUPS = _ROWS_PER_W // _L

_LN2 = 0.6931471805599453
_SQRT2 = 1.4142135623730951


def _vlog(x):
    bits = plsc.bitcast(x, jnp.int32)
    e = lax.shift_right_logical(bits, 23) - 127
    m = plsc.bitcast((bits & 0x007FFFFF) | 0x3F800000, jnp.float32)
    big = m > _SQRT2
    m = jnp.where(big, m * 0.5, m)
    e = jnp.where(big, e + 1, e)
    r = (m - 1.0) / (m + 1.0)
    r2 = r * r
    poly = 2.0 * r * (1.0 + r2 * (1.0 / 3.0 + r2 * (0.2 + r2 * (1.0 / 7.0))))
    return e.astype(jnp.float32) * _LN2 + poly


def _focal_body(pred_hbm, tgt_hbm, alpha_hbm, out_hbm,
                pred_v, tgt_v, alpha_v, acc_v, shared, red_v, out_v):
    cid = lax.axis_index("c")
    sid = lax.axis_index("s")
    wid = sid * _NC + cid
    base = wid * _ROWS_PER_W
    pltpu.sync_copy(pred_hbm.at[pl.ds(base, _ROWS_PER_W)], pred_v)
    pltpu.sync_copy(tgt_hbm.at[pl.ds(base, _ROWS_PER_W)], tgt_v)
    pltpu.sync_copy(alpha_hbm, alpha_v)

    iota = lax.iota(jnp.int32, _L)

    def body(g, acc):
        row = iota + g * _L
        tv = tgt_v[pl.ds(g * _L, _L)]
        x0 = plsc.load_gather(pred_v, [row, jnp.zeros((_L,), jnp.int32)])
        x1 = plsc.load_gather(pred_v, [row, jnp.full((_L,), 1, jnp.int32)])
        x2 = plsc.load_gather(pred_v, [row, jnp.full((_L,), 2, jnp.int32)])
        x3 = plsc.load_gather(pred_v, [row, jnp.full((_L,), 3, jnp.int32)])
        x4 = plsc.load_gather(pred_v, [row, jnp.full((_L,), 4, jnp.int32)])
        xt = plsc.load_gather(pred_v, [row, tv])
        at = plsc.load_gather(alpha_v, [tv])
        m = jnp.maximum(jnp.maximum(jnp.maximum(x0, x1), jnp.maximum(x2, x3)),
                        x4)
        et = jnp.exp(xt - m)
        s = (jnp.exp(x0 - m) + jnp.exp(x1 - m) + jnp.exp(x2 - m)
             + jnp.exp(x3 - m) + jnp.exp(x4 - m))
        pt = et / s
        logpt = (xt - m) - _vlog(s)
        u = 1.0 - pt
        return acc - at * u * u * logpt

    acc = lax.fori_loop(0, _GROUPS, body, jnp.zeros((_L,), jnp.float32))
    acc_v[...] = acc
    pltpu.sync_copy(acc_v, shared.at[pl.ds(sid * _L, _L)])
    plsc.subcore_barrier()

    @pl.when(sid == 0)
    def _():
        pltpu.sync_copy(shared, red_v)
        tot = red_v[pl.ds(0, _L)]
        for s_ in range(1, _NS):
            tot = tot + red_v[pl.ds(s_ * _L, _L)]
        total = jnp.sum(tot) * (1.0 / _N_ROWS)
        out_v[...] = jnp.broadcast_to(total, (_L,))
        pltpu.sync_copy(out_v, out_hbm.at[pl.ds(cid * _L, _L)])


_focal_call = functools.partial(
    pl.kernel,
    out_type=jax.ShapeDtypeStruct((_NC * _L,), jnp.float32),
    mesh=plsc.VectorSubcoreMesh(core_axis_name="c", subcore_axis_name="s",
                                num_cores=_NC, num_subcores=_NS),
    compiler_params=pltpu.CompilerParams(needs_layout_passes=False,
                                         skip_device_barrier=True),
    scratch_types=[
        pltpu.VMEM((_ROWS_PER_W, _N_CLASSES), jnp.float32),
        pltpu.VMEM((_ROWS_PER_W,), jnp.int32),
        pltpu.VMEM((_N_CLASSES,), jnp.float32),
        pltpu.VMEM((_L,), jnp.float32),
        pltpu.VMEM_SHARED((_NS * _L,), jnp.float32),
        pltpu.VMEM((_NS * _L,), jnp.float32),
        pltpu.VMEM((_L,), jnp.float32),
    ],
)(_focal_body)


def kernel(pred, target, alpha):
    out = _focal_call(pred, target, alpha)
    return out[0] + out[_L]

# --- scband reference (transcript-rebuilt; emitter-appended) ---
"""Pipeline reference for scband-focal-loss-76459007803839 (READ-ONLY COPY).

The authoritative reference and input builder live on the scoring server;
editing this copy changes nothing except your own understanding.
"""

import jax, jax.numpy as jnp
import numpy as np

GAMMA = 2.0

def setup_inputs(seed: int = 0) -> dict:
    key = jax.random.key(seed)
    k1, k2 = jax.random.split(key)
    pred = jax.random.normal(k1, (16384, 5), dtype=jnp.float32)
    target = jax.random.randint(k2, (16384,), 0, 5, dtype=jnp.int32)
    alpha = jnp.asarray([0.8, 1.2, 0.8, 1.0, 0.8], dtype=jnp.float32)
    return {"pred": pred, "target": target, "alpha": alpha}


def reference(pred, target, alpha):
    # softmax over class dim
    pred_softmax = jax.nn.softmax(pred, axis=1)
    # one-hot scatter of target into [B, C]
    target_one_hot = jax.nn.one_hot(target, pred.shape[1], dtype=pred_softmax.dtype)
    pt = (target_one_hot * pred_softmax).sum(axis=1)
    # per-example alpha gather (loop in torch == gather here)
    at = jnp.take(alpha, target, axis=0)
    focal_loss = -at * jnp.power(1.0 - pt, GAMMA) * jnp.log(pt)
    return focal_loss.mean()

if __name__ == "__main__":
    import jax
    _d = setup_inputs()
    print(jax.jit(kernel)(*tuple(_d.values())))

</pallas_src>

<mosaic_0001>
#map = affine_map<(d0, d1) -> (0, 0)>
#map1 = affine_map<(d0, d1) -> (0)>
module attributes {stable_mosaic.version = 14 : i64} {
  func.func @_focal_body(%arg0: i32, %arg1: i32, %arg2: memref<16384x5xf32, #tpu.memory_space<hbm>>, %arg3: memref<16384xi32, #tpu.memory_space<hbm>>, %arg4: memref<5xf32, #tpu.memory_space<hbm>>, %arg5: memref<32xf32, #tpu.memory_space<hbm>>, %arg6: memref<512x5xf32, #tpu.memory_space<vmem>>, %arg7: memref<512xi32, #tpu.memory_space<vmem>>, %arg8: memref<5xf32, #tpu.memory_space<vmem>>, %arg9: memref<16xf32, #tpu.memory_space<vmem>>, %arg10: memref<256xf32, #tpu.memory_space<vmem_shared>>, %arg11: memref<256xf32, #tpu.memory_space<vmem>>, %arg12: memref<16xf32, #tpu.memory_space<vmem>>) attributes {dimension_semantics = [#tpu.dimension_semantics<core_parallel>, #tpu.dimension_semantics<subcore_parallel>], iteration_bounds = array<i64: 2, 16>, scalar_prefetch = 0 : i64, scratch_operands = 7 : i64, tpu.core_type = #tpu.core_type<sc_vector_subcore>, window_params = [{transform_indices = #map}, {transform_indices = #map1}, {transform_indices = #map1}, {transform_indices = #map1}]} {
    %mul3A = arith.constant 2 : i32
    %mul3A_0 = arith.muli %arg1, %mul3A : i32
    %add3A = arith.addi %mul3A_0, %arg0 : i32
    %mul3A_1 = arith.constant 512 : i32
    %mul3A_2 = arith.muli %add3A, %mul3A_1 : i32
    "tpu.region"() ({
      %run_scoped3A = tpu.sem_alloc : memref<!tpu.dma_semaphore, #tpu.memory_space<semaphore_mem>>
      %dma_start3A = arith.constant 0 : i32
      %dma_start3A_14 = tpu.memref_slice %arg2[%mul3A_2, %dma_start3A] : memref<16384x5xf32, #tpu.memory_space<hbm>> -> memref<512x5xf32, #tpu.memory_space<hbm>>
      %dma_start3A_15 = arith.constant 0 : i32
      %dma_start3A_16 = tpu.memref_slice %arg2[%mul3A_2, %dma_start3A_15] : memref<16384x5xf32, #tpu.memory_space<hbm>> -> memref<512x5xf32, #tpu.memory_space<hbm>>
      tpu.enqueue_dma source(%dma_start3A_16 : memref<512x5xf32, #tpu.memory_space<hbm>>) target(%arg6 : memref<512x5xf32, #tpu.memory_space<vmem>>) target_semaphore(%run_scoped3A : memref<!tpu.dma_semaphore, #tpu.memory_space<semaphore_mem>>)
      %dma_wait3A = arith.constant 0 : i32
      %dma_wait3A_17 = tpu.memref_slice %arg2[%mul3A_2, %dma_wait3A] : memref<16384x5xf32, #tpu.memory_space<hbm>> -> memref<512x5xf32, #tpu.memory_space<hbm>>
      %dma_wait3A_18 = arith.constant 0 : i32
      %dma_wait3A_19 = tpu.memref_slice %arg2[%mul3A_2, %dma_wait3A_18] : memref<16384x5xf32, #tpu.memory_space<hbm>> -> memref<512x5xf32, #tpu.memory_space<hbm>>
      tpu.wait_dma2 semaphore(%run_scoped3A : memref<!tpu.dma_semaphore, #tpu.memory_space<semaphore_mem>>) src(%dma_wait3A_19 : memref<512x5xf32, #tpu.memory_space<hbm>>) dst(%arg6 : memref<512x5xf32, #tpu.memory_space<vmem>>)
      tpu.yield
    }) : () -> ()
    "tpu.region"() ({
      %run_scoped3A = tpu.sem_alloc : memref<!tpu.dma_semaphore, #tpu.memory_space<semaphore_mem>>
      %dma_start3A = tpu.memref_slice %arg3[%mul3A_2] : memref<16384xi32, #tpu.memory_space<hbm>> -> memref<512xi32, #tpu.memory_space<hbm>>
      %dma_start3A_14 = tpu.memref_slice %arg3[%mul3A_2] : memref<16384xi32, #tpu.memory_space<hbm>> -> memref<512xi32, #tpu.memory_space<hbm>>
      tpu.enqueue_dma source(%dma_start3A_14 : memref<512xi32, #tpu.memory_space<hbm>>) target(%arg7 : memref<512xi32, #tpu.memory_space<vmem>>) target_semaphore(%run_scoped3A : memref<!tpu.dma_semaphore, #tpu.memory_space<semaphore_mem>>)
      %dma_wait3A = tpu.memref_slice %arg3[%mul3A_2] : memref<16384xi32, #tpu.memory_space<hbm>> -> memref<512xi32, #tpu.memory_space<hbm>>
      %dma_wait3A_15 = tpu.memref_slice %arg3[%mul3A_2] : memref<16384xi32, #tpu.memory_space<hbm>> -> memref<512xi32, #tpu.memory_space<hbm>>
      tpu.wait_dma2 semaphore(%run_scoped3A : memref<!tpu.dma_semaphore, #tpu.memory_space<semaphore_mem>>) src(%dma_wait3A_15 : memref<512xi32, #tpu.memory_space<hbm>>) dst(%arg7 : memref<512xi32, #tpu.memory_space<vmem>>)
      tpu.yield
    }) : () -> ()
    "tpu.region"() ({
      %run_scoped3A = tpu.sem_alloc : memref<!tpu.dma_semaphore, #tpu.memory_space<semaphore_mem>>
      tpu.enqueue_dma source(%arg4 : memref<5xf32, #tpu.memory_space<hbm>>) target(%arg8 : memref<5xf32, #tpu.memory_space<vmem>>) target_semaphore(%run_scoped3A : memref<!tpu.dma_semaphore, #tpu.memory_space<semaphore_mem>>)
      tpu.wait_dma2 semaphore(%run_scoped3A : memref<!tpu.dma_semaphore, #tpu.memory_space<semaphore_mem>>) src(%arg4 : memref<5xf32, #tpu.memory_space<hbm>>) dst(%arg8 : memref<5xf32, #tpu.memory_space<vmem>>)
      tpu.yield
    }) : () -> ()
    %iota3A = tpu.iota {dimensions = array<i32: 0>} : vector<16xi32>
    %broadcast_in_dim3A = arith.constant 0.000000e+00 : f32
    %broadcast_in_dim3A_3 = vector.broadcast %broadcast_in_dim3A : f32 to vector<16xf32>
    %scan3A = arith.constant 0 : i32
    %scan3A_4 = arith.constant 32 : i32
    %scan3A_5 = arith.addi %scan3A, %scan3A_4 : i32
    %scan3A_6 = arith.constant 1 : i32
    %scan3A_7 = scf.for %scan3A_14 = %scan3A to %scan3A_5 step %scan3A_6 iter_args(%scan3A_15 = %broadcast_in_dim3A_3) -> (vector<16xf32>)  : i32 {
      %mul3A_16 = arith.constant 16 : i32
      %mul3A_17 = arith.muli %scan3A_14, %mul3A_16 : i32
      %add3A_18 = vector.broadcast %mul3A_17 : i32 to vector<16xi32>
      %add3A_19 = arith.addi %iota3A, %add3A_18 : vector<16xi32>
      %mul3A_20 = arith.constant 16 : i32
      %mul3A_21 = arith.muli %scan3A_14, %mul3A_20 : i32
      %get3A = arith.index_cast %mul3A_21 : i32 to index
      %get3A_22 = tpu.vector_load %arg7[%get3A] {strides = array<i32>} : memref<512xi32, #tpu.memory_space<vmem>>, vector<16xi32>,
      %broadcast_in_dim3A_23 = arith.constant 0 : i32
      %broadcast_in_dim3A_24 = vector.broadcast %broadcast_in_dim3A_23 : i32 to vector<16xi32>
      %gather3A = tpu.vector_load_idx %arg6[%add3A_19, %broadcast_in_dim3A_24] : memref<512x5xf32, #tpu.memory_space<vmem>>[vector<16xi32>, vector<16xi32>], vector<16xf32>,
      %broadcast_in_dim3A_25 = arith.constant 1 : i32
      %broadcast_in_dim3A_26 = vector.broadcast %broadcast_in_dim3A_25 : i32 to vector<16xi32>
      %gather3A_27 = tpu.vector_load_idx %arg6[%add3A_19, %broadcast_in_dim3A_26] : memref<512x5xf32, #tpu.memory_space<vmem>>[vector<16xi32>, vector<16xi32>], vector<16xf32>,
      %broadcast_in_dim3A_28 = arith.constant 2 : i32
      %broadcast_in_dim3A_29 = vector.broadcast %broadcast_in_dim3A_28 : i32 to vector<16xi32>
      %gather3A_30 = tpu.vector_load_idx %arg6[%add3A_19, %broadcast_in_dim3A_29] : memref<512x5xf32, #tpu.memory_space<vmem>>[vector<16xi32>, vector<16xi32>], vector<16xf32>,
      %broadcast_in_dim3A_31 = arith.constant 3 : i32
      %broadcast_in_dim3A_32 = vector.broadcast %broadcast_in_dim3A_31 : i32 to vector<16xi32>
      %gather3A_33 = tpu.vector_load_idx %arg6[%add3A_19, %broadcast_in_dim3A_32] : memref<512x5xf32, #tpu.memory_space<vmem>>[vector<16xi32>, vector<16xi32>], vector<16xf32>,
      %broadcast_in_dim3A_34 = arith.constant 4 : i32
      %broadcast_in_dim3A_35 = vector.broadcast %broadcast_in_dim3A_34 : i32 to vector<16xi32>
      %gather3A_36 = tpu.vector_load_idx %arg6[%add3A_19, %broadcast_in_dim3A_35] : memref<512x5xf32, #tpu.memory_space<vmem>>[vector<16xi32>, vector<16xi32>], vector<16xf32>,
      %gather3A_37 = tpu.vector_load_idx %arg6[%add3A_19, %get3A_22] : memref<512x5xf32, #tpu.memory_space<vmem>>[vector<16xi32>, vector<16xi32>], vector<16xf32>,
      %gather3A_38 = tpu.vector_load_idx %arg8[%get3A_22] : memref<5xf32, #tpu.memory_space<vmem>>[vector<16xi32>], vector<16xf32>,
      %max3A = arith.maximumf %gather3A, %gather3A_27 : vector<16xf32>
      %max3A_39 = arith.maximumf %gather3A_30, %gather3A_33 : vector<16xf32>
      %max3A_40 = arith.maximumf %max3A, %max3A_39 : vector<16xf32>
      %max3A_41 = arith.maximumf %max3A_40, %gather3A_36 : vector<16xf32>
      %sub3A = arith.subf %gather3A_37, %max3A_41 : vector<16xf32>
      %exp3A = math.exp %sub3A : vector<16xf32>
      %sub3A_42 = arith.subf %gather3A, %max3A_41 : vector<16xf32>
      %exp3A_43 = math.exp %sub3A_42 : vector<16xf32>
      %sub3A_44 = arith.subf %gather3A_27, %max3A_41 : vector<16xf32>
      %exp3A_45 = math.exp %sub3A_44 : vector<16xf32>
      %add3A_46 = arith.addf %exp3A_43, %exp3A_45 : vector<16xf32>
      %sub3A_47 = arith.subf %gather3A_30, %max3A_41 : vector<16xf32>
      %exp3A_48 = math.exp %sub3A_47 : vector<16xf32>
      %add3A_49 = arith.addf %add3A_46, %exp3A_48 : vector<16xf32>
      %sub3A_50 = arith.subf %gather3A_33, %max3A_41 : vector<16xf32>
      %exp3A_51 = math.exp %sub3A_50 : vector<16xf32>
      %add3A_52 = arith.addf %add3A_49, %exp3A_51 : vector<16xf32>
      %sub3A_53 = arith.subf %gather3A_36, %max3A_41 : vector<16xf32>
      %exp3A_54 = math.exp %sub3A_53 : vector<16xf32>
      %add3A_55 = arith.addf %add3A_52, %exp3A_54 : vector<16xf32>
      %div3A = arith.divf %exp3A, %add3A_55 : vector<16xf32>
      %sub3A_56 = arith.subf %gather3A_37, %max3A_41 : vector<16xf32>
      %bitcast3A = vector.bitcast %add3A_55 : vector<16xf32> to vector<16xi32>
      %shift_right_logical3A = arith.constant 23 : i32
      %shift_right_logical3A_57 = vector.broadcast %shift_right_logical3A : i32 to vector<16xi32>
      %shift_right_logical3A_58 = arith.shrui %bitcast3A, %shift_right_logical3A_57 : vector<16xi32>
      %sub3A_59 = arith.constant 127 : i32
      %sub3A_60 = vector.broadcast %sub3A_59 : i32 to vector<16xi32>
      %sub3A_61 = arith.subi %shift_right_logical3A_58, %sub3A_60 : vector<16xi32>
      %and3A = arith.constant 8388607 : i32
      %and3A_62 = vector.broadcast %and3A : i32 to vector<16xi32>
      %and3A_63 = arith.andi %bitcast3A, %and3A_62 : vector<16xi32>
      %or3A = arith.constant 1065353216 : i32
      %or3A_64 = vector.broadcast %or3A : i32 to vector<16xi32>
      %or3A_65 = arith.ori %and3A_63, %or3A_64 : vector<16xi32>
      %bitcast3A_66 = vector.bitcast %or3A_65 : vector<16xi32> to vector<16xf32>
      %gt3A = arith.constant 1.41421354 : f32
      %gt3A_67 = vector.broadcast %gt3A : f32 to vector<16xf32>
      %gt3A_68 = arith.cmpf ogt, %bitcast3A_66, %gt3A_67 : vector<16xf32>
      %mul3A_69 = arith.constant 5.000000e-01 : f32
      %mul3A_70 = vector.broadcast %mul3A_69 : f32 to vector<16xf32>
      %mul3A_71 = arith.mulf %bitcast3A_66, %mul3A_70 : vector<16xf32>
      %select_n3A = arith.select %gt3A_68, %mul3A_71, %bitcast3A_66 : vector<16xi1>, vector<16xf32>
      %add3A_72 = arith.constant 1 : i32
      %add3A_73 = vector.broadcast %add3A_72 : i32 to vector<16xi32>
      %add3A_74 = arith.addi %sub3A_61, %add3A_73 : vector<16xi32>
      %select_n3A_75 = arith.select %gt3A_68, %add3A_74, %sub3A_61 : vector<16xi1>, vector<16xi32>
      %sub3A_76 = arith.constant 1.000000e+00 : f32
      %sub3A_77 = vector.broadcast %sub3A_76 : f32 to vector<16xf32>
      %sub3A_78 = arith.subf %select_n3A, %sub3A_77 : vector<16xf32>
      %add3A_79 = arith.constant 1.000000e+00 : f32
      %add3A_80 = vector.broadcast %add3A_79 : f32 to vector<16xf32>
      %add3A_81 = arith.addf %select_n3A, %add3A_80 : vector<16xf32>
      %div3A_82 = arith.divf %sub3A_78, %add3A_81 : vector<16xf32>
      %mul3A_83 = arith.mulf %div3A_82, %div3A_82 : vector<16xf32>
      %mul3A_84 = arith.constant 2.000000e+00 : f32
      %mul3A_85 = vector.broadcast %mul3A_84 : f32 to vector<16xf32>
      %mul3A_86 = arith.mulf %mul3A_85, %div3A_82 : vector<16xf32>
      %mul3A_87 = arith.constant 0.142857149 : f32
      %mul3A_88 = vector.broadcast %mul3A_87 : f32 to vector<16xf32>
      %mul3A_89 = arith.mulf %mul3A_83, %mul3A_88 : vector<16xf32>
      %add3A_90 = arith.constant 2.000000e-01 : f32
      %add3A_91 = vector.broadcast %add3A_90 : f32 to vector<16xf32>
      %add3A_92 = arith.addf %add3A_91, %mul3A_89 : vector<16xf32>
      %mul3A_93 = arith.mulf %mul3A_83, %add3A_92 : vector<16xf32>
      %add3A_94 = arith.constant 0.333333343 : f32
      %add3A_95 = vector.broadcast %add3A_94 : f32 to vector<16xf32>
      %add3A_96 = arith.addf %add3A_95, %mul3A_93 : vector<16xf32>
      %mul3A_97 = arith.mulf %mul3A_83, %add3A_96 : vector<16xf32>
      %add3A_98 = arith.constant 1.000000e+00 : f32
      %add3A_99 = vector.broadcast %add3A_98 : f32 to vector<16xf32>
      %add3A_100 = arith.addf %add3A_99, %mul3A_97 : vector<16xf32>
      %mul3A_101 = arith.mulf %mul3A_86, %add3A_100 : vector<16xf32>
      %convert_element_type3A_102 = arith.sitofp %select_n3A_75 : vector<16xi32> to vector<16xf32>
      %mul3A_103 = arith.constant 0.693147182 : f32
      %mul3A_104 = vector.broadcast %mul3A_103 : f32 to vector<16xf32>
      %mul3A_105 = arith.mulf %convert_element_type3A_102, %mul3A_104 : vector<16xf32>
      %add3A_106 = arith.addf %mul3A_105, %mul3A_101 : vector<16xf32>
      %sub3A_107 = arith.subf %sub3A_56, %add3A_106 : vector<16xf32>
      %sub3A_108 = arith.constant 1.000000e+00 : f32
      %sub3A_109 = vector.broadcast %sub3A_108 : f32 to vector<16xf32>
      %sub3A_110 = arith.subf %sub3A_109, %div3A : vector<16xf32>
      %mul3A_111 = arith.mulf %gather3A_38, %sub3A_110 : vector<16xf32>
      %mul3A_112 = arith.mulf %mul3A_111, %sub3A_110 : vector<16xf32>
      %mul3A_113 = arith.mulf %mul3A_112, %sub3A_107 : vector<16xf32>
      %sub3A_114 = arith.subf %scan3A_15, %mul3A_113 : vector<16xf32>
      scf.yield %sub3A_114 : vector<16xf32>
    }
    %scan3A_8 = arith.constant 32 : i32
    %swap3A = arith.constant 0 : index
    %swap3A_9 = tpu.vector_load %arg9[%swap3A] {strides = array<i32>} : memref<16xf32, #tpu.memory_space<vmem>>, vector<16xf32>,
    tpu.vector_store %arg9[%swap3A], %scan3A_7 {strides = array<i32>} : memref<16xf32, #tpu.memory_space<vmem>>, vector<16xf32>,
    %mul3A_10 = arith.constant 16 : i32
    %mul3A_11 = arith.muli %arg1, %mul3A_10 : i32
    "tpu.region"() ({
      %run_scoped3A = tpu.sem_alloc : memref<!tpu.dma_semaphore, #tpu.memory_space<semaphore_mem>>
      %dma_start3A = tpu.memref_slice %arg10[%mul3A_11] : memref<256xf32, #tpu.memory_space<vmem_shared>> -> memref<16xf32, #tpu.memory_space<vmem_shared>>
      %dma_start3A_14 = tpu.memref_slice %arg10[%mul3A_11] : memref<256xf32, #tpu.memory_space<vmem_shared>> -> memref<16xf32, #tpu.memory_space<vmem_shared>>
      tpu.enqueue_dma source(%arg9 : memref<16xf32, #tpu.memory_space<vmem>>) target(%dma_start3A_14 : memref<16xf32, #tpu.memory_space<vmem_shared>>) target_semaphore(%run_scoped3A : memref<!tpu.dma_semaphore, #tpu.memory_space<semaphore_mem>>)
      %dma_wait3A = tpu.memref_slice %arg10[%mul3A_11] : memref<256xf32, #tpu.memory_space<vmem_shared>> -> memref<16xf32, #tpu.memory_space<vmem_shared>>
      %dma_wait3A_15 = tpu.memref_slice %arg10[%mul3A_11] : memref<256xf32, #tpu.memory_space<vmem_shared>> -> memref<16xf32, #tpu.memory_space<vmem_shared>>
      tpu.wait_dma2 semaphore(%run_scoped3A : memref<!tpu.dma_semaphore, #tpu.memory_space<semaphore_mem>>) src(%arg9 : memref<16xf32, #tpu.memory_space<vmem>>) dst(%dma_wait3A_15 : memref<16xf32, #tpu.memory_space<vmem_shared>>)
      tpu.yield
    }) : () -> ()
    %barrier3A = arith.constant 0 : index
    tpu.barrier barrier_id(%barrier3A)
    %eq3A = arith.constant 0 : i32
    %eq3A_12 = arith.cmpi eq, %arg1, %eq3A : i32
    %convert_element_type3A = arith.extui %eq3A_12 : i1 to i32
    %cond3A = arith.constant 0 : i32
    %cond3A_13 = arith.cmpi ne, %convert_element_type3A, %cond3A : i32
    scf.if %cond3A_13 {
      "tpu.region"() ({
        %run_scoped3A = tpu.sem_alloc : memref<!tpu.dma_semaphore, #tpu.memory_space<semaphore_mem>>
        tpu.enqueue_dma source(%arg10 : memref<256xf32, #tpu.memory_space<vmem_shared>>) target(%arg11 : memref<256xf32, #tpu.memory_space<vmem>>) target_semaphore(%run_scoped3A : memref<!tpu.dma_semaphore, #tpu.memory_space<semaphore_mem>>)
        tpu.wait_dma2 semaphore(%run_scoped3A : memref<!tpu.dma_semaphore, #tpu.memory_space<semaphore_mem>>) src(%arg10 : memref<256xf32, #tpu.memory_space<vmem_shared>>) dst(%arg11 : memref<256xf32, #tpu.memory_space<vmem>>)
        tpu.yield
      }) : () -> ()
      %get3A = arith.constant 0 : index
      %get3A_14 = tpu.vector_load %arg11[%get3A] {strides = array<i32>} : memref<256xf32, #tpu.memory_space<vmem>>, vector<16xf32>,
      %get3A_15 = arith.constant 16 : index
      %get3A_16 = tpu.vector_load %arg11[%get3A_15] {strides = array<i32>} : memref<256xf32, #tpu.memory_space<vmem>>, vector<16xf32>,
      %add3A_17 = arith.addf %get3A_14, %get3A_16 : vector<16xf32>
      %get3A_18 = arith.constant 32 : index
      %get3A_19 = tpu.vector_load %arg11[%get3A_18] {strides = array<i32>} : memref<256xf32, #tpu.memory_space<vmem>>, vector<16xf32>,
      %add3A_20 = arith.addf %add3A_17, %get3A_19 : vector<16xf32>
      %get3A_21 = arith.constant 48 : index
      %get3A_22 = tpu.vector_load %arg11[%get3A_21] {strides = array<i32>} : memref<256xf32, #tpu.memory_space<vmem>>, vector<16xf32>,
      %add3A_23 = arith.addf %add3A_20, %get3A_22 : vector<16xf32>
      %get3A_24 = arith.constant 64 : index
      %get3A_25 = tpu.vector_load %arg11[%get3A_24] {strides = array<i32>} : memref<256xf32, #tpu.memory_space<vmem>>, vector<16xf32>,
      %add3A_26 = arith.addf %add3A_23, %get3A_25 : vector<16xf32>
      %get3A_27 = arith.constant 80 : index
      %get3A_28 = tpu.vector_load %arg11[%get3A_27] {strides = array<i32>} : memref<256xf32, #tpu.memory_space<vmem>>, vector<16xf32>,
      %add3A_29 = arith.addf %add3A_26, %get3A_28 : vector<16xf32>
      %get3A_30 = arith.constant 96 : index
      %get3A_31 = tpu.vector_load %arg11[%get3A_30] {strides = array<i32>} : memref<256xf32, #tpu.memory_space<vmem>>, vector<16xf32>,
      %add3A_32 = arith.addf %add3A_29, %get3A_31 : vector<16xf32>
      %get3A_33 = arith.constant 112 : index
      %get3A_34 = tpu.vector_load %arg11[%get3A_33] {strides = array<i32>} : memref<256xf32, #tpu.memory_space<vmem>>, vector<16xf32>,
      %add3A_35 = arith.addf %add3A_32, %get3A_34 : vector<16xf32>
      %get3A_36 = arith.constant 128 : index
      %get3A_37 = tpu.vector_load %arg11[%get3A_36] {strides = array<i32>} : memref<256xf32, #tpu.memory_space<vmem>>, vector<16xf32>,
      %add3A_38 = arith.addf %add3A_35, %get3A_37 : vector<16xf32>
      %get3A_39 = arith.constant 144 : index
      %get3A_40 = tpu.vector_load %arg11[%get3A_39] {strides = array<i32>} : memref<256xf32, #tpu.memory_space<vmem>>, vector<16xf32>,
      %add3A_41 = arith.addf %add3A_38, %get3A_40 : vector<16xf32>
      %get3A_42 = arith.constant 160 : index
      %get3A_43 = tpu.vector_load %arg11[%get3A_42] {strides = array<i32>} : memref<256xf32, #tpu.memory_space<vmem>>, vector<16xf32>,
      %add3A_44 = arith.addf %add3A_41, %get3A_43 : vector<16xf32>
      %get3A_45 = arith.constant 176 : index
      %get3A_46 = tpu.vector_load %arg11[%get3A_45] {strides = array<i32>} : memref<256xf32, #tpu.memory_space<vmem>>, vector<16xf32>,
      %add3A_47 = arith.addf %add3A_44, %get3A_46 : vector<16xf32>
      %get3A_48 = arith.constant 192 : index
      %get3A_49 = tpu.vector_load %arg11[%get3A_48] {strides = array<i32>} : memref<256xf32, #tpu.memory_space<vmem>>, vector<16xf32>,
      %add3A_50 = arith.addf %add3A_47, %get3A_49 : vector<16xf32>
      %get3A_51 = arith.constant 208 : index
      %get3A_52 = tpu.vector_load %arg11[%get3A_51] {strides = array<i32>} : memref<256xf32, #tpu.memory_space<vmem>>, vector<16xf32>,
      %add3A_53 = arith.addf %add3A_50, %get3A_52 : vector<16xf32>
      %get3A_54 = arith.constant 224 : index
      %get3A_55 = tpu.vector_load %arg11[%get3A_54] {strides = array<i32>} : memref<256xf32, #tpu.memory_space<vmem>>, vector<16xf32>,
      %add3A_56 = arith.addf %add3A_53, %get3A_55 : vector<16xf32>
      %get3A_57 = arith.constant 240 : index
      %get3A_58 = tpu.vector_load %arg11[%get3A_57] {strides = array<i32>} : memref<256xf32, #tpu.memory_space<vmem>>, vector<16xf32>,
      %add3A_59 = arith.addf %add3A_56, %get3A_58 : vector<16xf32>
      %reduce_sum3A = arith.constant true
      %reduce_sum3A_60 = vector.broadcast %reduce_sum3A : i1 to vector<16xi1>
      %reduce_sum3A_61 = tpu.scan <sum>, %add3A_59 masked %reduce_sum3A_60 : vector<16xf32>, vector<16xi1> -> vector<16xf32>
      %reduce_sum3A_62 = vector.extract %reduce_sum3A_61[15] : f32 from vector<16xf32>
      %mul3A_63 = arith.constant 6.10351563E-5 : f32
      %mul3A_64 = arith.mulf %reduce_sum3A_62, %mul3A_63 : f32
      %broadcast_in_dim3A_65 = vector.broadcast %mul3A_64 : f32 to vector<16xf32>
      %swap3A_66 = arith.constant 0 : index
      %swap3A_67 = tpu.vector_load %arg12[%swap3A_66] {strides = array<i32>} : memref<16xf32, #tpu.memory_space<vmem>>, vector<16xf32>,
      tpu.vector_store %arg12[%swap3A_66], %broadcast_in_dim3A_65 {strides = array<i32>} : memref<16xf32, #tpu.memory_space<vmem>>, vector<16xf32>,
      %mul3A_68 = arith.constant 16 : i32
      %mul3A_69 = arith.muli %arg0, %mul3A_68 : i32
      "tpu.region"() ({
        %run_scoped3A = tpu.sem_alloc : memref<!tpu.dma_semaphore, #tpu.memory_space<semaphore_mem>>
        %dma_start3A = tpu.memref_slice %arg5[%mul3A_69] : memref<32xf32, #tpu.memory_space<hbm>> -> memref<16xf32, #tpu.memory_space<hbm>>
        %dma_start3A_70 = tpu.memref_slice %arg5[%mul3A_69] : memref<32xf32, #tpu.memory_space<hbm>> -> memref<16xf32, #tpu.memory_space<hbm>>
        tpu.enqueue_dma source(%arg12 : memref<16xf32, #tpu.memory_space<vmem>>) target(%dma_start3A_70 : memref<16xf32, #tpu.memory_space<hbm>>) target_semaphore(%run_scoped3A : memref<!tpu.dma_semaphore, #tpu.memory_space<semaphore_mem>>)
        %dma_wait3A = tpu.memref_slice %arg5[%mul3A_69] : memref<32xf32, #tpu.memory_space<hbm>> -> memref<16xf32, #tpu.memory_space<hbm>>
        %dma_wait3A_71 = tpu.memref_slice %arg5[%mul3A_69] : memref<32xf32, #tpu.memory_space<hbm>> -> memref<16xf32, #tpu.memory_space<hbm>>
        tpu.wait_dma2 semaphore(%run_scoped3A : memref<!tpu.dma_semaphore, #tpu.memory_space<semaphore_mem>>) src(%arg12 : memref<16xf32, #tpu.memory_space<vmem>>) dst(%dma_wait3A_71 : memref<16xf32, #tpu.memory_space<hbm>>)
        tpu.yield
      }) : () -> ()
    } else {
    }
    return
  }
}

</mosaic_0001>

<sc_bundles>
// kernel: kernel.3.cloned.1.call-start
scs
__scs_entry_jumppad:
0x0: {  	(pc) =	sbr.rel $0x88, $3  }
0x1: {  	(tag) =	ssettag $0x0;
	lr =	simm.s32 $0x1  }
0x2: {  	[smem:$0x3F9E] =	sst lr;
	_ =	strace $0xD0000000  }
0x3: {  	_ = 	snop  }
0x4: {  	_ = 	snop  }
0x5: {  	_ = 	snop  }
0x6: {  	_ = 	snop  }
0x7: {  	_ = 	snop  }
__scs_overlays_trampoline_lowered:
0x8: {  	[smem:$0x3FAD] =	sst s0  }
0x9: {  	[smem:$0x3FAE] =	sst s1  }
0xa: {  	[smem:$0x3FAF] =	sst s2  }
0xb: {  	[smem:$0x3FB0] =	sst s3  }
0xc: {  	[smem:$0x3FB1] =	sst s4  }
0xd: {  	[smem:$0x3FB2] =	sst s5  }
0xe: {  	[smem:$0x3FB3] =	sst s6  }
0xf: {  	[smem:$0x3FB4] =	sst s7  }
0x10: {  	[smem:$0x3FB5] =	sst s8  }
0x11: {  	[smem:$0x3FB6] =	sst s9;
	s0 =	simm.s32 @!p0 $0x0  }
0x12: {  	s1 =	sld [smem:$0x3F9C];
	s0 =	simm.s32 @p0 $0x1  }
0x13: {  	[smem:$0x3FB7] =	sst s0;
	s0 =	simm.s32 @!p1 $0x0  }
0x14: {  	s2 =	sld [smem:$0x3F9B];
	s0 =	simm.s32 @p1 $0x1  }
0x15: {  	[smem:$0x3FB8] =	sst s0;
	s0 =	simm.s32 @!p2 $0x0  }
0x16: {  	s3 =	sld [smem:$0x3FDB];
	s0 =	simm.s32 @p2 $0x1  }
0x17: {  	s4 =	simm.s32 $0x1BF5;
	[smem:$0x3FBA] =	sst s0  }
0x18: {  	s0 =	sld [smem:$0x3F9D];
	_ =	swait.ge [sflag:s4], $0x0  }
0x19: {  	s7 =	sld [smem:$0x3F9E]  }
0x1a: {  	s8 =	sadd.s32 $0xFFFFE003, lr  }
0x1b: {  	s9 =	sadd.s32 $0xFFFFFEF7, lr;
	s5 =	simm.s32 $0xFFFFFFFF;
	p2 =	slt.u32 s8, $0xFFFFF086  }
0x1c: {  	p1 =	slt.u32 s9, $0xF7A;
	s5 =	simm.s32 @!p2 $0x0  }
0x1d: {  	s5 =	simm.s32 @p1 $0x1;
	p0 =	seq.s32 s7, s2  }
0x1e: {  	s7 =	smul.u32 @!p0 $0xF7A, s2;
	p2 =	seq.s32 @!p0 s5, $0x0  }
0x1f: {  	s9 =	smul.u32 $0xF7A, s1;
	s8 =	simm.s32 @!p0 $0x1BF5;
	p2 =	por !p2, p0  }
0x20: {  	[sflag:s8] =	ssyncset.s32 @!p0 $0xFFFFF086;
	s6 =	sadd.s32 @!p0 s3, s7;
	s7 =	simm.s32 @!p0 $0x108  }
0x21: {  	s3 =	sadd.s32 s3, s9;
	s6 =	sadd.s32 @!p0 $0x88, s6;
	s7 =	simm.s32 @p2 $0x1082  }
0x22: {  	[simem:s7], [sflag:s8] =	dma.local @!p0 [hbm:s6], $0xF7A  }
0x23: {  	s9 =	sor.u32 $0xD0000000, s2;
	s6 =	simm.s32 $0x108;
	_ =	swait.ge @!p0 [sflag:s8], $0x0  }
0x24: {  	s3 =	sadd.s32 $0x88, s3;
	s6 =	simm.s32 @!p1 $0x1082;
	[sflag:s4] =	ssyncset.s32 $0xFFFFF086  }
0x25: {  	[simem:s6], [sflag:s4] =	dma.local [hbm:s3], $0xF7A  }
0x26: {  	[smem:$0x3F9E] =	sst s1;
	(tag) =	ssettag s2;
	_ =	strace s9  }
0x27: {  	s1 =	sld [smem:$0x3FAE]  }
0x28: {  	s2 =	sld [smem:$0x3FAF]  }
0x29: {  	s4 =	sld [smem:$0x3FB1]  }
0x2a: {  	p0 =	seq.s32 s5, $0x0;
	s5 =	sld [smem:$0x3FB2]  }
0x2b: {  	s6 =	sld [smem:$0x3FB3]  }
0x2c: {  	s7 =	sld [smem:$0x3FB4]  }
0x2d: {  	s3 =	simm.s32 $0x108;
	s8 =	sld [smem:$0x3FB5]  }
0x2e: {  	s3 =	simm.s32 @!p0 $0x1082;
	s9 =	sld [smem:$0x3FB6]  }
0x2f: {  	lr =	sadd.s32 s0, s3;
	s0 =	sld [smem:$0x3FAD]  }
0x30: {  	s3 =	sld [smem:$0x3FB0]  }
0x31: {  	[smem:$0x3FB9] =	sst s10  }
0x32: {  	s10 =	sld [smem:$0x3FB7];
	_ =	sdelay $0x3  }
0x33: {  	p0 =	seq.s32 s10, $0x1;
	s10 =	sld [smem:$0x3FB9];
	_ =	sdelay $0x3  }
0x34: {  	[smem:$0x3FB9] =	sst s10  }
0x35: {  	s10 =	sld [smem:$0x3FB8];
	_ =	sdelay $0x3  }
0x36: {  	p1 =	seq.s32 s10, $0x1;
	s10 =	sld [smem:$0x3FB9];
	_ =	sdelay $0x3  }
0x37: {  	[smem:$0x3FB9] =	sst s10  }
0x38: {  	s10 =	sld [smem:$0x3FBA]  }
0x39: {  	_ = 	snop;
	(pc) =	sbr.ind lr, $3  }
0x3a: {  	_ = 	snop  }
0x3b: {  	_ = 	snop  }
0x3c: {  	p2 =	seq.s32 s10, $0x1;
	s10 =	sld [smem:$0x3FB9]  }
0x3d: {  	_ =	shalt  }
0x3e: {  	_ =	shalt  }
0x3f: {  	_ =	shalt  }
0x40: {  	_ =	shalt  }
0x41: {  	_ =	shalt  }
0x42: {  	_ =	shalt  }
0x43: {  	_ =	shalt  }
0x44: {  	_ =	shalt  }
0x45: {  	_ =	shalt  }
0x46: {  	_ =	shalt  }
0x47: {  	_ =	shalt  }
0x48: {  	_ =	shalt  }
0x49: {  	_ =	shalt  }
0x4a: {  	_ =	shalt  }
0x4b: {  	_ =	shalt  }
0x4c: {  	_ =	shalt  }
0x4d: {  	_ =	shalt  }
0x4e: {  	_ =	shalt  }
0x4f: {  	_ =	shalt  }
0x50: {  	_ =	shalt  }
0x51: {  	_ =	shalt  }
0x52: {  	_ =	shalt  }
0x53: {  	_ =	shalt  }
0x54: {  	_ =	shalt  }
0x55: {  	_ =	shalt  }
0x56: {  	_ =	shalt  }
0x57: {  	_ =	shalt  }
0x58: {  	_ =	shalt  }
0x59: {  	_ =	shalt  }
0x5a: {  	_ =	shalt  }
0x5b: {  	_ =	shalt  }
0x5c: {  	_ =	shalt  }
0x5d: {  	_ =	shalt  }
0x5e: {  	_ =	shalt  }
0x5f: {  	_ =	shalt  }
0x60: {  	_ =	shalt  }
0x61: {  	_ =	shalt  }
0x62: {  	_ =	shalt  }
0x63: {  	_ =	shalt  }
0x64: {  	_ =	shalt  }
0x65: {  	_ =	shalt  }
0x66: {  	_ =	shalt  }
0x67: {  	_ =	shalt  }
0x68: {  	_ =	shalt  }
0x69: {  	_ =	shalt  }
0x6a: {  	_ =	shalt  }
0x6b: {  	_ =	shalt  }
0x6c: {  	_ =	shalt  }
0x6d: {  	_ =	shalt  }
0x6e: {  	_ =	shalt  }
0x6f: {  	_ =	shalt  }
0x70: {  	_ =	shalt  }
0x71: {  	_ =	shalt  }
0x72: {  	_ =	shalt  }
0x73: {  	_ =	shalt  }
0x74: {  	_ =	shalt  }
0x75: {  	_ =	shalt  }
0x76: {  	_ =	shalt  }
0x77: {  	_ =	shalt  }
0x78: {  	_ =	shalt  }
0x79: {  	_ =	shalt  }
0x7a: {  	_ =	shalt  }
0x7b: {  	_ =	shalt  }
0x7c: {  	_ =	shalt  }
0x7d: {  	_ =	shalt  }
0x7e: {  	_ =	shalt  }
0x7f: {  	_ =	shalt  }
0x80: {  	_ =	shalt  }
0x81: {  	_ =	shalt  }
0x82: {  	_ =	shalt  }
0x83: {  	_ =	shalt  }
0x84: {  	_ =	shalt  }
0x85: {  	_ =	shalt  }
0x86: {  	_ =	shalt  }
0x87: {  	_ =	shalt  }
.Lfunc_end0:
.L_simem_size_0:
called_computation_lowered:
.L_overlay_start_0:
0x88: {  	s2 =	sld [smem:$0x3FD9]  }
0x89: {  	s3 =	sld [smem:$0x3FFE];
	_ =	sdelay $0x1  }
0x8a: {  	s1 =	srdreg.scid  }
0x8b: {  	s0 =	sand.u32 $0x1, s1  }
0x8c: {  	s17 =	sshll.u32 s0, $0xA;
	s2 =	sadd.s32 s3, s2  }
0x8d: {  	s2 =	sadd.s32 s2, s17  }
0x8e: {  	[smem:$0x3FC5] =	sst s2  }
0x8f: {  	_ = 	snop  }
0x90: {  	s2 =	sld [smem:$0x3FC8]  }
0x91: {  	s18 =	sld [smem:$0x3FC7];
	(tm) =	ssettm $0x1  }
0x92: {  	s4 =	sld [smem:$0x3FFB];
	_ =	sdelay $0x3  }
0x93: {  	_ =	strace s4  }
0x94: {  	s4 =	sld [smem:$0x3FFC];
	_ =	sdelay $0x3  }
0x95: {  	_ =	strace s4  }
0x96: {  	s4 =	sld [smem:$0x3FFD];
	_ =	sdelay $0x3  }
0x97: {  	_ =	strace s4  }
0x98: {  	_ =	strace $0x8FFFFFFF  }
0x99: {  	s19 =	sld [smem:$0x3FDB];
	_ =	sdelay $0x1  }
0x9a: {  	s5 =	simm.s32 $_scs_section_size  }
0x9b: {  	s6 =	simm.s32 $_size__tile_overlayer_lowered;
	s7 =	simm.s32 $_tile_overlayer_lowered  }
0x9c: {  	s22 =	simm.s32 $0x1BFF;
	s21 =	sshll.u32 s7, $0x1;
	s4 =	sadd.s32 s5, s19  }
0x9d: {  	s8 =	simm.s32 $0x0;
	s20 =	sshll.u32 s6, $0x1;
	s6 =	sadd.s32 s21, s4  }
0x9e: {  	[timem:s8], [sflag:s22] =	dma.local [hbm:s6], s20  }
0x9f: {  	_ =	swait.ge [sflag:s22], s20  }
0xa0: {  	s5 =	ssub.s32 $0x0, s20;
	[sflag:s22] =	ssyncset.done $0x0  }
0xa1: {  	[sflag:s22] =	ssyncadd.s32 s5;
	_ =	sdelay $0x1  }
0xa2: {  	s23 =	simm.s32 $0x1B8B  }
0xa3: {  	_ =	swait.ge [sflag:s23], $0x1  }
0xa4: {  	[sflag:s23] =	ssyncset.done $0x0  }
0xa5: {  	s25 =	simm.s32 $0x1B8E;
	s24 =	sld [smem:$0x3FFE];
	[sflag:s23] =	ssyncadd.s32 $0xFFFFFFFF  }
0xa6: {  	s26 =	simm.s32 $execute0_lowered;
	[smem:$0x3FD2] =	sst s25  }
0xa7: {  	s6 =	sshll.u32 s26, $0x1;
	_ =	strace $0x80000046;
	[dreg:$0x1] =	wrdreg $0xFFFFFFFF  }
0xa8: {  	s28 =	simm.s32 $_size_execute0_lowered;
	s4 =	sadd.s32 s4, s6;
	[dreg:$0x0] =	wrdreg $0x0  }
0xa9: {  	s6 =	sshll.u32 s28, $0x1;
	[dreg:$0x2] =	wrdreg s4  }
0xaa: {  	[dreg:$0x3] =	wrdreg s6  }
0xab: {  	[dreg:$0x4] =	wrdreg $0xC0  }
0xac: {  	_ =	task [dreg:s8], $0x5FFFF  }
0xad: {  	[dreg:$0x1] =	wrdreg $0xFFFFFFFF  }
0xae: {  	[dreg:$0x0] =	wrdreg $0x60  }
0xaf: {  	[dreg:$0x2] =	wrdreg s24  }
0xb0: {  	[dreg:$0x3] =	wrdreg s2  }
0xb1: {  	[dreg:$0x4] =	wrdreg s18  }
0xb2: {  	[dreg:$0x5] =	wrdreg $0x103000  }
0xb3: {  	[dreg:$0x6] =	wrdreg $0x9  }
0xb4: {  	_ =	task.clear_ibuf [dreg:s8], $0x7FFFF;
	_ =	strace $0x90000046  }
0xb5: {  	s29 =	simm.s32 $0x9;
	_ =	strace $0x80000048  }
0xb6: {  	_ =	swait.ge [sflag:s29], $0x1  }
0xb7: {  	[sflag:s29] =	ssyncadd.s32 $0xFFFFFFFF  }
0xb8: {  	_ =	strace $0x90000048  }
0xb9: {  	_ =	sfence  }
0xba: {  	s30 =	sld [smem:$0x0];
	_ =	sdelay $0x2  }
0xbb: {  	s31 =	sshll.u32 s1, $0xD;
	s1 =	sshrl.u32 s1, $0x2  }
0xbc: {  	s3 =	sand.u32 $0x4000, s31;
	s1 =	sadd.s32 s1, s30  }
0xbd: {  	s0 =	sor.u32 s3, s0;
	s1 =	sshll.u32 s1, $0x11  }
0xbe: {  	s0 =	sor.u32 s1, s0  }
0xbf: {  	s0 =	sadd.s32 $0x8F2B, s0  }
0xc0: {  	[sflag:s0] =	ssyncadd.remote.s32 $0x1  }
0xc1: {  	_ =	sfence.sel $0xFFFF  }
0xc2: {  	[dreg:$0x0] =	wrdreg $0xFFFFFFFF;
	(pc) =	sbr.abs _section_cstart, $3  }
0xc3: {  	[dreg:$0x1] =	wrdreg $0xFFFFFFFF  }
0xc4: {  	_ =	task.clear_ibuf [dreg:s8], $0x2FFFF;
	_ =	strace $0x9FFFFFFF  }
0xc5: {  	(tm) =	ssettm $0x7FFFFFFF  }
tec
execute0_lowered:
.L_overlay_start_1:
0x0: {  	(tag) =	ssettag $0x1  }
0x1: {  	s4 =	rddreg [dreg:$0x0]  }
0x2: {  	s5 =	rddreg [dreg:$0x1]  }
0x3: {  	s1 =	rddreg [dreg:$0x2]  }
0x4: {  	s2 =	rddreg [dreg:$0x3]  }
0x5: {  	s0 =	rddreg [dreg:$0x4];
	s6 =	srdreg.scid  }
0x6: {  	s3 =	simm.s32 $0x0;
	s11 =	stileid.u32;
	s6 =	sand.u32 $0x1, s6  }
0x7: {  	[smem:$0x7FF] =	sst s3;
	s7 =	sshll.u32 s11, $0xA;
	s31 =	sshll.u32 s11, $0x4  }
0x8: {  	p0 =	sne.s32 s11, $0x0;
	s11 =	simm.s32 $0x10280;
	s8 =	sshll.u32 s6, $0x9  }
0x9: {  	_ =	strace $0x80000047;
	s29 =	ssub.s32 $0x2, s6;
	s6 =	sshll.u32 s6, $0x1  }
0xa: {  	s7 =	sor.u32 s8, s7;
	s10 =	sshrl.u32 s29, $0x1;
	s12 =	sadd.s32 s6, s4  }
0xb: {  	s6 =	sadd.s32 s31, s2;
	s9 =	sshll.u32 s7, $0x4;
	s8 =	ssub.s32 s29, s10  }
0xc: {  	s30 =	sshrl.u32 s7, $0x3;
	s7 =	sadd.s32 $0x40600, s12;
	s10 =	simm.s32 $0x10200  }
0xd: {  	v0 =	vlaneseq.u32;
	s12 =	simm.s32 $0x0;
	s9 =	sadd.s32 s9, s4;
	s5 =	sadd.s32 s5, s30  }
0xe: {  	v1 =	vimm.s32 $0xFFFFFF81;
	v0 =	vmul.u32 $0x80, v0;
	s8 =	smax.u32 s8, $0x1;
	s4 =	sadd.s32 $0x600, s9;
	s9 =	simm.s32 $0x1  }
.LBB2_1:
0xf: {  	[tilespmem:s3], [sflag:$0x1] =	stream.linear.gather [hbm4b:s4+s3], $0x10000, $0x38;
	[tilespmem:$0x10490] =	vst v63  }
0x10: {  	_ =	swait.ge [sflag:s9], $0x10000  }
0x11: {  	[sflag:s9] =	ssyncset.done $0x0  }
0x12: {  	s13 =	simm.s32 $0x10000;
	[sflag:s9] =	ssyncadd.s32 $0xFFFF0000  }
0x13: {  	[tilespmem:s13], [sflag:$0x1] =	stream.linear.gather [hbm4b:s5+s3], $0x200, $0x38;
	[tilespmem:$0x10490] =	vst v63  }
0x14: {  	v2 =	vmov s3;
	_ =	swait.ge [sflag:s9], $0x200  }
0x15: {  	v2 =	vshll.u32 v2, $0x7;
	[sflag:s9] =	ssyncset.done $0x0  }
0x16: {  	v3 =	vor.u32 v0, v2;
	[sflag:s9] =	ssyncadd.s32 $0xFFFFFE00  }
0x17: {  	v2 =	vor.u32 $0x1, v3;
	[tilespmem:s10], [sflag:$0x1] =	stream.linear.gather [hbm4b:s1+s3], $0x80, $0x38;
	[tilespmem:$0x10490] =	vst v63  }
0x18: {  	v4 =	vor.u32 $0x3, v3;
	_ =	swait.ge [sflag:s9], $0x80  }
0x19: {  	v5 =	vor.u32 $0x2, v3;
	[sflag:s9] =	ssyncset.done $0x0  }
0x1a: {  	[sflag:s9] =	ssyncadd.s32 $0xFFFFFF80  }
0x1b: {  	v6 =	vor.u32 $0x4, v3;
	v7 =	vld.idx.msk [tilespmem:v3+s3+$0x0], $0xffff  }
0x1c: {  	v2 =	vld.idx.msk [tilespmem:v2+s3+$0x0], $0xffff  }
0x1d: {  	v4 =	vld.idx.msk [tilespmem:v4+s3+$0x0], $0xffff  }
0x1e: {  	v5 =	vld.idx.msk [tilespmem:v5+s3+$0x0], $0xffff;
	_ =	sdelay $0x1  }
0x1f: {  	v6 =	vld.idx.msk [tilespmem:v6+s3+$0x0], $0xffff;
	_ =	sdelay $0x2  }
0x20: {  	v8 =	vmax.f32 v7, v2;
	v9 =	vmax.f32 v5, v4  }
0x21: {  	v8 =	vmax.f32 v8, v9  }
0x22: {  	v8 =	vmax.f32 v8, v6  }
0x23: {  	v7 =	vsub.f32 v7, v8  }
0x24: {  	s14 =	simm.s32 $0x10;
	v2 =	vsub.f32 v2, v8  }
0x25: {  	v9 =	vmov s14;
	v4 =	vsub.f32 v4, v8;
	v7 =	vmul.f32 $1.442695020e+00, v7  }
0x26: {  	v9 =	vshll.u32 v9, $0x7;
	v5 =	vsub.f32 v5, v8;
	v2 =	vmul.f32 $1.442695020e+00, v2  }
0x27: {  	v4 =	vmul.f32 $1.442695020e+00, v4;
	(erf) = vpow2.f32 v7;
	v7 =	vor.u32 v0, v9  }
0x28: {  	v5 =	vmul.f32 $1.442695020e+00, v5;
	(erf) = vpow2.f32 v2;
	v2 =	vor.u32 $0x1, v7  }
0x29: {  	v9 =	vor.u32 $0x3, v7;
	(erf) = vpow2.f32 v4  }
0x2a: {  	v6 =	vsub.f32 v6, v8;
	v4 =	vor.u32 $0x2, v7;
	(erf) = vpow2.f32 v5  }
0x2b: {  	v5 =	vld [tilespmem:s13+$0x0]  }
0x2c: {  	v6 =	vmul.f32 $1.442695020e+00, v6;
	v10 =	vor.u32 $0x4, v7;
	v11 =	vld.idx.msk [tilespmem:v7+s3+$0x0], $0xffff  }
0x2d: {  	v12 =	vld.idx.msk [tilespmem:v2+s3+$0x0], $0xffff  }
0x2e: {  	(erf) = vpow2.f32 v6;
	v9 =	vld.idx.msk [tilespmem:v9+s3+$0x0], $0xffff  }
0x2f: {  	v6 =	vld.idx.msk [tilespmem:v4+s3+$0x0], $0xffff  }
0x30: {  	v4 =	vpop (erf)  }
0x31: {  	s26 =	simm.s32 $0x20;
	v10 =	vld.idx.msk [tilespmem:v10+s3+$0x0], $0xffff;
	v13 =	vpop (erf)  }
0x32: {  	v15 =	vand.u32 $0xFFFFFF80, v5;
	v13 =	vadd.f32 v13, v4;
	v14 =	vpop (erf);
	v4 =	vmov s26  }
0x33: {  	v3 =	vadd.s32 v3, v15;
	v16 =	vmax.f32 v11, v12;
	v17 =	vshll.u32 v4, $0x7;
	v18 =	vpop (erf)  }
0x34: {  	s28 =	simm.s32 $0x10010;
	v19 =	vmax.f32 v6, v9;
	v17 =	vor.u32 v0, v17;
	v13 =	vadd.f32 v13, v18  }
0x35: {  	v4 =	vld [tilespmem:s28+$0x0];
	v18 =	vand.u32 $0x7F, v5;
	v16 =	vmax.f32 v16, v19;
	v19 =	vor.u32 $0x1, v17  }
0x36: {  	v27 =	vmax.f32 v16, v10;
	v16 =	vor.u32 $0x3, v17;
	v13 =	vadd.f32 v13, v14  }
0x37: {  	s29 =	simm.s32 $0x10020;
	v15 =	vpop (erf);
	v18 =	vor.u32 v18, v3;
	v11 =	vsub.f32 v11, v27;
	v14 =	vor.u32 $0x2, v17  }
0x38: {  	v3 =	vld [tilespmem:s29+$0x0];
	v20 =	vor.u32 $0x4, v17;
	v12 =	vsub.f32 v12, v27;
	v13 =	vadd.f32 v13, v15  }
0x39: {  	v9 =	vsub.f32 v9, v27;
	v6 =	vsub.f32 v6, v27;
	v11 =	vmul.f32 $1.442695020e+00, v11;
	v21 =	vld.idx.msk [tilespmem:v17+s3+$0x0], $0xffff  }
0x3a: {  	v15 =	vand.u32 $0xFFFFFF80, v4;
	v12 =	vmul.f32 $1.442695020e+00, v12;
	v19 =	vld.idx.msk [tilespmem:v19+s3+$0x0], $0xffff;
	v23 =	vand.u32 $0x7FFFFF, v13  }
0x3b: {  	v9 =	vmul.f32 $1.442695020e+00, v9;
	(erf) = vpow2.f32 v11;
	v11 =	vld.idx.msk [tilespmem:v16+s3+$0x0], $0xffff;
	v16 =	vor.u32 $0x3F800000, v23  }
0x3c: {  	v22 =	vand.u32 $0x7F, v4;
	(erf) = vpow2.f32 v12;
	v12 =	vld.idx.msk [tilespmem:v14+s3+$0x0], $0xffff;
	v14 =	vmul.f32 $5.000000000e-01, v16  }
0x3d: {  	v6 =	vmul.f32 $1.442695020e+00, v6;
	v7 =	vadd.s32 v7, v15;
	v20 =	vld.idx.msk [tilespmem:v20+s3+$0x0], $0xffff;
	vm0 =	vgt.f32 v16, $1.414213540e+00  }
0x3e: {  	(erf) = vrcp.f32 v13;
	v14 =	vsel vm0, v14, v16;
	v16 =	vor.u32 v22, v7;
	v7 =	vld.idx.msk [tilespmem:v18+s3+$0x0], $0xffff  }
0x3f: {  	v2 =	vimm.f32 $0.0e+00;
	(erf) = vpow2.f32 v9;
	v9 =	vadd.f32 $1.000000000e+00, v14  }
0x40: {  	v10 =	vsub.f32 v10, v27;
	v15 =	vand.u32 $0xFFFFFF80, v3;
	(erf) = vpow2.f32 v6  }
0x41: {  	v18 =	vmax.f32 v21, v19;
	v22 =	vmax.f32 v12, v11;
	(erf) = vrcp.f32 v9  }
0x42: {  	v15 =	vadd.s32 v17, v15;
	v9 =	vand.u32 $0x7F, v3;
	v17 =	vmax.f32 v18, v22  }
0x43: {  	s30 =	simm.s32 $0x10030;
	v18 =	vmul.f32 $1.442695020e+00, v10;
	v10 =	vmax.f32 v17, v20;
	v7 =	vsub.f32 v7, v8  }
0x44: {  	v6 =	vld [tilespmem:s30+$0x0];
	v8 =	vshrl.u32 v13, $0x17;
	v13 =	vsub.f32 v21, v10;
	v19 =	vsub.f32 v19, v10  }
0x45: {  	s31 =	simm.s32 $0x30;
	v9 =	vor.u32 v9, v15;
	v15 =	vpop (erf);
	v21 =	vsel vm0, $0xFFFFFF82, v1;
	(erf) = vpow2.f32 v18  }
0x46: {  	v17 =	vpop (erf);
	v22 =	vadd.s32 v8, v21;
	v21 =	vmov s31;
	v13 =	vmul.f32 $1.442695020e+00, v13  }
0x47: {  	v15 =	vadd.f32 v17, v15;
	v17 =	vmul.f32 $1.442695020e+00, v19;
	v21 =	vshll.u32 v21, $0x7;
	v8 =	vpop (erf)  }
0x48: {  	v12 =	vsub.f32 v12, v10;
	v11 =	vsub.f32 v11, v10;
	v19 =	vpop (erf);
	(erf) = vpow2.f32 v13  }
0x49: {  	v14 =	vadd.f32 $-1.000000000e+00, v14;
	v18 =	vand.u32 $0xFFFFFF80, v6;
	(erf) = vpow2.f32 v17;
	v23 =	vpop (erf)  }
0x4a: {  	v28 =	vmul.f32 $1.442695020e+00, v11;
	v17 =	vmul.f32 $1.442695020e+00, v12;
	v12 =	vor.u32 v0, v21;
	v21 =	vpop (erf)  }
0x4b: {  	v23 =	vadd.f32 v15, v23;
	v25 =	vor.u32 $0x1, v12;
	v15 =	vmul.f32 v21, v14  }
0x4c: {  	v11 =	vand.u32 $0x7F, v6;
	v13 =	vmul.f32 $1.442695020e+00, v7;
	v26 =	vor.u32 $0x3, v12  }
0x4d: {  	v30 =	vld.idx.msk [tilespmem:v16+s3+$0x0], $0xffff;
	v29 =	vor.u32 $0x2, v12;
	v16 =	vadd.f32 v23, v19;
	v14 =	vmul.f32 v15, v15  }
0x4e: {  	v24 =	vor.u32 $0x4, v12;
	v19 =	vsub.f32 v20, v10;
	v20 =	vpop (erf);
	(erf) = vpow2.f32 v13  }
0x4f: {  	v23 =	vadd.s32 v12, v18;
	v18 =	vld.idx.msk [tilespmem:v12+s3+$0x0], $0xffff;
	v16 =	vadd.f32 v16, v20;
	v12 =	vmul.f32 $1.428571490e-01, v14  }
0x50: {  	v11 =	vor.u32 v11, v23;
	v13 =	vcvt.s32.f32 v22;
	v21 =	vmul.f32 $1.442695020e+00, v19;
	v20 =	vld.idx.msk [tilespmem:v25+s3+$0x0], $0xffff  }
0x51: {  	v19 =	vld.idx.msk [tilespmem:v26+s3+$0x0], $0xffff;
	v31 =	vand.u32 $0x7FFFFF, v16;
	v25 =	vpop (erf);
	(erf) = vrcp.f32 v16;
	v22 =	vadd.f32 $2.000000030e-01, v12  }
0x52: {  	s14 =	simm.s32 $0x10040;
	s13 =	simm.s32 $0x40;
	v23 =	vld.idx.msk [tilespmem:v29+s3+$0x0], $0xffff;
	v26 =	vpop (erf);
	(erf) = vpow2.f32 v28;
	v12 =	vsub.f32 v30, v27;
	v27 =	vor.u32 $0x3F800000, v31  }
.LBB2_2:
0x53: {  	v28 =	vld [tilespmem:s14+$0x0];
	p1 =	sne.s32 s13, $0x1F0;
	v29 =	vmul.f32 $5.000000000e-01, v27;
	v15 =	vadd.f32 v15, v15;
	v22 =	vmul.f32 v22, v14;
	v30 =	vmovc v10;
	s15 =	smov.u32 s13;
	s13 =	sadd.s32 $0x10, s13  }
0x54: {  	v10 =	vshrl.u32 v16, $0x17;
	vm0 =	vgt.f32 v27, $1.414213540e+00;
	v31 =	vld.idx.msk [tilespmem:v24+s3+$0x0], $0xffff;
	v24 =	vadd.f32 v26, v25  }
0x55: {  	v25 =	vsel vm0, $0xFFFFFF82, v1;
	v16 =	vsel vm0, v29, v27;
	v22 =	vadd.f32 $3.333333430e-01, v22  }
0x56: {  	v25 =	vadd.s32 v10, v25;
	v26 =	vadd.f32 $-1.000000000e+00, v16;
	v10 =	vadd.f32 $1.000000000e+00, v16  }
0x57: {  	v16 =	vmax.f32 v18, v20;
	(erf) = vpow2.f32 v17;
	v27 =	vld.idx.msk [tilespmem:v5+s10+$0x0], $0xffff;
	v14 =	vmul.f32 v22, v14;
	v17 =	vpop (erf)  }
0x58: {  	v29 =	vmax.f32 v23, v19;
	v5 =	vmovc v4;
	v4 =	vmovc v3;
	v22 =	vand.u32 $0xFFFFFF80, v28;
	(erf) = vrcp.f32 v10  }
0x59: {  	v3 =	vmovc v6;
	v10 =	vmax.f32 v16, v29;
	v16 =	vmul.f32 $1.442695020e+00, v12;
	v6 =	vmovc v28;
	v14 =	vadd.f32 $1.000000000e+00, v14  }
0x5a: {  	v13 =	vmul.f32 $6.931471820e-01, v13;
	v28 =	vmul.f32 v8, v17;
	v10 =	vmax.f32 v10, v31;
	v8 =	vpop (erf)  }
0x5b: {  	v17 =	vsub.f32 v18, v10;
	v18 =	vsub.f32 v20, v10;
	v20 =	vpop (erf);
	v14 =	vmul.f32 v14, v15  }
0x5c: {  	v19 =	vsub.f32 v19, v10;
	v15 =	vsub.f32 v23, v10;
	(erf) = vpow2.f32 v21  }
0x5d: {  	v21 =	vmul.f32 $1.442695020e+00, v17;
	v18 =	vmul.f32 $1.442695020e+00, v18;
	v13 =	vadd.f32 v14, v13  }
0x5e: {  	v29 =	vmul.f32 $1.442695020e+00, v19;
	v17 =	vmul.f32 $1.442695020e+00, v15;
	v14 =	vsub.f32 $1.000000000e+00, v28  }
0x5f: {  	v19 =	vmov s15;
	(erf) = vpow2.f32 v21;
	v13 =	vsub.f32 v7, v13;
	v7 =	vmovc v12  }
0x60: {  	v12 =	vshll.u32 v19, $0x7;
	(erf) = vpow2.f32 v18;
	v15 =	vpop (erf);
	v18 =	vmul.f32 v14, v27  }
0x61: {  	v19 =	vand.u32 $0x7F, v6;
	v12 =	vor.u32 v0, v12;
	v21 =	vadd.f32 v24, v15;
	v15 =	vpop (erf)  }
0x62: {  	v23 =	vor.u32 $0x1, v12;
	v27 =	vor.u32 $0x2, v12;
	v15 =	vmul.f32 v15, v26  }
0x63: {  	v24 =	vor.u32 $0x4, v12;
	v26 =	vor.u32 $0x3, v12;
	v18 =	vmul.f32 v18, v14;
	v28 =	vld.idx.msk [tilespmem:v9+s3+$0x0], $0xffff;
	v9 =	vmovc v11  }
0x64: {  	v11 =	vsub.f32 v31, v10;
	v20 =	vadd.f32 v21, v20;
	v14 =	vmul.f32 v15, v15  }
.Ltmp0:
0x65: {  	v22 =	vadd.s32 v12, v22;
	v32 =	vmul.f32 v13, v18;
	v31 =	vpop (erf);
	(erf) = vpow2.f32 v16;
	(pc) =	sbr.rel @p1 .LBB2_2-.Ltmp0, $4  }
0x66: {  	v21 =	vmul.f32 $1.442695020e+00, v11;
	v18 =	vld.idx.msk [tilespmem:v12+s3+$0x0], $0xffff;
	v16 =	vadd.f32 v20, v31;
	v12 =	vmul.f32 $1.428571490e-01, v14  }
0x67: {  	v13 =	vcvt.s32.f32 v25;
	v11 =	vor.u32 v19, v22;
	v2 =	vsub.f32 v2, v32;
	v20 =	vld.idx.msk [tilespmem:v23+s3+$0x0], $0xffff  }
0x68: {  	v19 =	vld.idx.msk [tilespmem:v26+s3+$0x0], $0xffff;
	v25 =	vpop (erf);
	v31 =	vand.u32 $0x7FFFFF, v16;
	(erf) = vrcp.f32 v16;
	v22 =	vadd.f32 $2.000000030e-01, v12  }
0x69: {  	s14 =	sadd.s32 $0x10, s14;
	v12 =	vsub.f32 v28, v30;
	v23 =	vld.idx.msk [tilespmem:v27+s3+$0x0], $0xffff;
	v26 =	vpop (erf);
	(erf) = vpow2.f32 v29;
	v27 =	vor.u32 $0x3F800000, v31  }
0x6a: {  	v28 =	vmul.f32 $5.000000000e-01, v27  }
0x6b: {  	vm0 =	vgt.f32 v27, $1.414213540e+00  }
0x6c: {  	(erf) = vpow2.f32 v17;
	v27 =	vsel vm0, v28, v27  }
0x6d: {  	v35 =	vadd.f32 $1.000000000e+00, v27;
	_ =	sdelay $0x1  }
0x6e: {  	(erf) = vrcp.f32 v35  }
0x6f: {  	(erf) = vpow2.f32 v21  }
0x70: {  	v36 =	vld.idx.msk [tilespmem:v24+s3+$0x0], $0xffff  }
0x71: {  	v37 =	vpop (erf)  }
0x72: {  	v24 =	vpop (erf)  }
0x73: {  	v25 =	vadd.f32 v26, v25;
	v38 =	vmax.f32 v18, v20;
	v39 =	vmax.f32 v23, v19;
	v29 =	vpop (erf)  }
0x74: {  	v26 =	vmax.f32 v38, v39;
	v40 =	vpop (erf)  }
0x75: {  	v26 =	vmax.f32 v26, v36;
	v25 =	vadd.f32 v25, v40  }
0x76: {  	v41 =	vsub.f32 v18, v26  }
0x77: {  	v42 =	vsub.f32 v20, v26;
	v25 =	vadd.f32 v25, v29;
	v43 =	vpop (erf)  }
0x78: {  	v18 =	vmul.f32 $1.442695020e+00, v41;
	v44 =	vpop (erf)  }
0x79: {  	v45 =	vsub.f32 v23, v26;
	v20 =	vmul.f32 $1.442695020e+00, v42;
	v25 =	vadd.f32 v25, v44  }
0x7a: {  	v46 =	vmul.f32 $1.442695020e+00, v12;
	v47 =	vsub.f32 v19, v26;
	(erf) = vpow2.f32 v18  }
0x7b: {  	v48 =	vmul.f32 $1.442695020e+00, v45;
	(erf) = vpow2.f32 v20;
	v49 =	vand.u32 $0x7FFFFF, v25  }
0x7c: {  	v19 =	vmul.f32 $1.442695020e+00, v47;
	(erf) = vpow2.f32 v46;
	v20 =	vor.u32 $0x3F800000, v49  }
0x7d: {  	(erf) = vrcp.f32 v25;
	v50 =	vmul.f32 $5.000000000e-01, v20  }
0x7e: {  	(erf) = vpow2.f32 v19;
	vm1 =	vgt.f32 v20, $1.414213540e+00  }
0x7f: {  	v17 =	vsub.f32 v36, v26;
	(erf) = vpow2.f32 v48;
	v51 =	vsel vm1, v50, v20  }
0x80: {  	v52 =	vadd.f32 $1.000000000e+00, v51  }
0x81: {  	v17 =	vmul.f32 $1.442695020e+00, v17  }
0x82: {  	(erf) = vrcp.f32 v52  }
0x83: {  	v53 =	vpop (erf);
	(erf) = vpow2.f32 v17  }
0x84: {  	v54 =	vpop (erf)  }
0x85: {  	v55 =	vpop (erf)  }
0x86: {  	v56 =	vpop (erf)  }
0x87: {  	v17 =	vadd.f32 v54, v53;
	v57 =	vpop (erf)  }
0x88: {  	v58 =	vpop (erf)  }
0x89: {  	v17 =	vadd.f32 v17, v58;
	_ =	sdelay $0x1  }
0x8a: {  	v9 =	vld.idx.msk [tilespmem:v9+s3+$0x0], $0xffff;
	v17 =	vadd.f32 v17, v57;
	v59 =	vpop (erf)  }
0x8b: {  	v60 =	vpop (erf)  }
0x8c: {  	v17 =	vadd.f32 v17, v60;
	_ =	sdelay $0x1  }
0x8d: {  	v18 =	vand.u32 $0x7FFFFF, v17  }
0x8e: {  	v9 =	vsub.f32 v9, v10;
	v61 =	vor.u32 $0x3F800000, v18  }
0x8f: {  	v63 =	vmul.f32 $5.000000000e-01, v61  }
0x90: {  	v30 =	vmul.f32 $1.442695020e+00, v9;
	vm2 =	vgt.f32 v61, $1.414213540e+00  }
0x91: {  	v22 =	vmul.f32 v22, v14;
	v10 =	vsel vm2, v63, v61  }
0x92: {  	v62 =	vadd.f32 $-1.000000000e+00, v27;
	(erf) = vpow2.f32 v30;
	v27 =	vadd.f32 $1.000000000e+00, v10  }
0x93: {  	v22 =	vadd.f32 $3.333333430e-01, v22;
	(erf) = vrcp.f32 v17  }
0x94: {  	(erf) = vrcp.f32 v27  }
0x95: {  	v5 =	vld.idx.msk [tilespmem:v5+s10+$0x0], $0xffff;
	v31 =	vmul.f32 v22, v14  }
0x96: {  	v8 =	vmul.f32 v8, v37;
	v18 =	vmul.f32 v43, v62  }
0x97: {  	v15 =	vadd.f32 v15, v15;
	v34 =	vshrl.u32 v16, $0x17;
	v14 =	vadd.f32 $1.000000000e+00, v31  }
0x98: {  	v11 =	vld.idx.msk [tilespmem:v11+s3+$0x0], $0xffff;
	v13 =	vmul.f32 $6.931471820e-01, v13;
	v8 =	vsub.f32 $1.000000000e+00, v8;
	v28 =	vmul.f32 v18, v18  }
0x99: {  	v33 =	vsel vm0, $0xFFFFFF82, v1;
	v14 =	vmul.f32 v14, v15;
	v19 =	vadd.f32 $-1.000000000e+00, v51  }
0x9a: {  	v15 =	vadd.s32 v34, v33;
	v5 =	vmul.f32 v8, v5;
	v30 =	vmul.f32 $1.428571490e-01, v28  }
0x9b: {  	v15 =	vcvt.s32.f32 v15;
	v19 =	vmul.f32 v59, v19;
	v36 =	vpop (erf)  }
0x9c: {  	v5 =	vmul.f32 v5, v8;
	v37 =	vadd.f32 $-1.000000000e+00, v10;
	v32 =	vadd.f32 $2.000000030e-01, v30;
	v38 =	vpop (erf)  }
0x9d: {  	v11 =	vsub.f32 v11, v26;
	v15 =	vmul.f32 $6.931471820e-01, v15;
	v39 =	vmul.f32 v19, v19;
	v40 =	vpop (erf)  }
0x9e: {  	v13 =	vadd.f32 v14, v13;
	v21 =	vmul.f32 v32, v28;
	v8 =	vmul.f32 v40, v37  }
0x9f: {  	v49 =	vshrl.u32 v25, $0x17;
	v46 =	vsel vm1, $0xFFFFFF82, v1;
	v43 =	vmul.f32 $1.442695020e+00, v11  }
0xa0: {  	v42 =	vmul.f32 $1.428571490e-01, v39;
	v35 =	vadd.f32 $3.333333430e-01, v21;
	v44 =	vmul.f32 v8, v8  }
0xa1: {  	v7 =	vsub.f32 v7, v13;
	v14 =	vadd.s32 v49, v46;
	(erf) = vpow2.f32 v43  }
0xa2: {  	v4 =	vld.idx.msk [tilespmem:v4+s10+$0x0], $0xffff;
	v20 =	vadd.f32 $2.000000030e-01, v42;
	v16 =	vmul.f32 v35, v28;
	v45 =	vmul.f32 $1.428571490e-01, v44  }
0xa3: {  	v41 =	vmul.f32 v24, v55;
	v14 =	vcvt.s32.f32 v14;
	v18 =	vadd.f32 v18, v18  }
0xa4: {  	v47 =	vmul.f32 v20, v39;
	v16 =	vadd.f32 $1.000000000e+00, v16;
	v13 =	vadd.f32 $2.000000030e-01, v45  }
0xa5: {  	v5 =	vmul.f32 v7, v5;
	v48 =	vsub.f32 $1.000000000e+00, v41;
	v14 =	vmul.f32 $6.931471820e-01, v14  }
0xa6: {  	v50 =	vadd.f32 $3.333333430e-01, v47;
	v16 =	vmul.f32 v16, v18;
	v13 =	vmul.f32 v13, v44  }
0xa7: {  	v4 =	vmul.f32 v48, v4;
	v17 =	vshrl.u32 v17, $0x17;
	v54 =	vsel vm2, $0xFFFFFF82, v1  }
0xa8: {  	v3 =	vld.idx.msk [tilespmem:v3+s10+$0x0], $0xffff;
	v52 =	vmul.f32 v50, v39;
	v15 =	vadd.f32 v16, v15;
	v13 =	vadd.f32 $3.333333430e-01, v13  }
0xa9: {  	v53 =	vadd.f32 v19, v19;
	v17 =	vadd.s32 v17, v54;
	v55 =	vmul.f32 v56, v36  }
0xaa: {  	v6 =	vld.idx.msk [tilespmem:v6+s10+$0x0], $0xffff;
	v57 =	vpop (erf);
	v51 =	vsub.f32 v12, v15;
	v15 =	vadd.f32 $1.000000000e+00, v52;
	v13 =	vmul.f32 v13, v44  }
0xab: {  	v17 =	vcvt.s32.f32 v17;
	v56 =	vsub.f32 $1.000000000e+00, v55;
	v10 =	vmul.f32 v38, v57  }
0xac: {  	v8 =	vadd.f32 v8, v8;
	v15 =	vmul.f32 v15, v53;
	v13 =	vadd.f32 $1.000000000e+00, v13  }
0xad: {  	v4 =	vmul.f32 v4, v48;
	v3 =	vmul.f32 v56, v3;
	v10 =	vsub.f32 $1.000000000e+00, v10  }
0xae: {  	v59 =	vmul.f32 $6.931471820e-01, v17;
	v58 =	vadd.f32 v15, v14;
	v8 =	vmul.f32 v13, v8  }
0xaf: {  	v2 =	vsub.f32 v2, v5;
	v3 =	vmul.f32 v3, v56;
	v6 =	vmul.f32 v10, v6  }
0xb0: {  	v4 =	vmul.f32 v51, v4;
	v60 =	vsub.f32 v9, v58;
	v61 =	vadd.f32 v8, v59  }
0xb1: {  	v63 =	vmul.f32 v6, v10  }
0xb2: {  	v2 =	vsub.f32 v2, v4;
	v3 =	vmul.f32 v60, v3;
	v62 =	vsub.f32 v11, v61;
	_ =	sdelay $0x1  }
0xb3: {  	v2 =	vsub.f32 v2, v3;
	v3 =	vmul.f32 v62, v63;
	_ =	sdelay $0x1  }
0xb4: {  	v2 =	vsub.f32 v2, v3;
	_ =	sdelay $0x1  }
0xb5: {  	[tilespmem:$0x10280] =	vst v2  }
0xb6: {  	[spmem:s6] =	stream.linear.scatter [tilespmem:s11], [sflag:$0x1], $0x10, $0x38;
	[tilespmem:$0x10490] =	vst v63  }
0xb7: {  	_ =	swait.ge [sflag:s9], $0x10  }
0xb8: {  	[sflag:s9] =	ssyncset.done $0x0  }
0xb9: {  	[sflag:s9] =	ssyncadd.s32 $0xFFFFFFF0  }
0xba: {  	s13 =	simm.s32 @!p0 $0x10310;
	[bflag:$0x0] =	sbarrier.arrive $0xFFFF  }
0xbb: {  	[tilespmem:s13], [sflag:$0x1] =	stream.linear.gather @!p0 [spmem:s2], $0x100, $0x38;
	[tilespmem:$0x10490] =	vst v63  }
0xbc: {  	s13 =	simm.s32 @!p0 $0x1  }
0xbd: {  	_ =	swait.ge @!p0 [sflag:s13], $0x100  }
0xbe: {  	[sflag:s13] =	ssyncset.done @!p0 $0x0  }
0xbf: {  	[sflag:s13] =	ssyncadd.s32 @!p0 $0xFFFFFF00  }
0xc0: {  	v2 =	vld @!p0 [tilespmem:$0x10310]  }
0xc1: {  	v3 =	vld @!p0 [tilespmem:$0x10320];
	_ =	sdelay $0x1  }
0xc2: {  	v4 =	vld @!p0 [tilespmem:$0x10330];
	_ =	sdelay $0x1  }
0xc3: {  	v5 =	vld @!p0 [tilespmem:$0x10340]  }
0xc4: {  	v2 =	vadd.f32 @!p0 v3, v2  }
0xc5: {  	v3 =	vld @!p0 [tilespmem:$0x10350]  }
0xc6: {  	v2 =	vadd.f32 @!p0 v4, v2  }
0xc7: {  	v4 =	vld @!p0 [tilespmem:$0x10360]  }
0xc8: {  	v2 =	vadd.f32 @!p0 v5, v2  }
0xc9: {  	v5 =	vld @!p0 [tilespmem:$0x10370]  }
0xca: {  	v2 =	vadd.f32 @!p0 v3, v2  }
0xcb: {  	v3 =	vld @!p0 [tilespmem:$0x10380]  }
0xcc: {  	v2 =	vadd.f32 @!p0 v4, v2  }
0xcd: {  	v4 =	vld @!p0 [tilespmem:$0x10390]  }
0xce: {  	v2 =	vadd.f32 @!p0 v5, v2  }
0xcf: {  	v5 =	vld @!p0 [tilespmem:$0x103A0]  }
0xd0: {  	v2 =	vadd.f32 @!p0 v3, v2  }
0xd1: {  	v3 =	vld @!p0 [tilespmem:$0x103B0]  }
0xd2: {  	v2 =	vadd.f32 @!p0 v4, v2  }
0xd3: {  	v4 =	vld @!p0 [tilespmem:$0x103C0]  }
0xd4: {  	v2 =	vadd.f32 @!p0 v5, v2  }
0xd5: {  	v5 =	vld @!p0 [tilespmem:$0x103D0]  }
0xd6: {  	v2 =	vadd.f32 @!p0 v3, v2  }
0xd7: {  	v3 =	vld @!p0 [tilespmem:$0x103E0]  }
0xd8: {  	v2 =	vadd.f32 @!p0 v4, v2  }
0xd9: {  	v4 =	vld @!p0 [tilespmem:$0x103F0]  }
0xda: {  	v2 =	vadd.f32 @!p0 v5, v2  }
0xdb: {  	v5 =	vld @!p0 [tilespmem:$0x10400]  }
0xdc: {  	v2 =	vadd.f32 @!p0 v3, v2;
	_ =	sdelay $0x1  }
0xdd: {  	v2 =	vadd.f32 @!p0 v4, v2;
	_ =	sdelay $0x1  }
0xde: {  	v2 =	vadd.f32 @!p0 v5, v2;
	_ =	sdelay $0x1  }
0xdf: {  	(xrf2) =	vadd.scan.msk.f32 @!p0 $0xffff, v2;
	_ =	sdelay $0x9  }
0xe0: {  	v2, _, _ =	vpop @!p0 (xrf2)  }
0xe1: {  	(v2sf) =	vpush @!p0 v2, $0xF;
	_ =	sdelay $0xe  }
0xe2: {  	s14 =	spop @!p0 (v2sf)  }
0xe3: {  	s14 =	smul.f32 @!p0 $6.103515630e-05, s14  }
0xe4: {  	s12 =	sadd.s32 $0x1, s12  }
0xe5: {  	p1 =	sne.s32 s12, s8;
	v2 =	vmov @!p0 s14  }
.Ltmp1:
0xe6: {  	s15 =	simm.s32 @!p0 $0x10410;
	s14 =	simm.s32 @!p0 $0x0;
	[tilespmem:$0x10410] =	vst @!p0 v2;
	(pc) =	sbr.rel @p1 .LBB2_1-.Ltmp1, $4  }
0xe7: {  	[hbm4b:s7+s14] =	stream.linear.scatter @!p0 [tilespmem:s15], [sflag:$0x1], $0x10, $0x38;
	[tilespmem:$0x10490] =	vst v63  }
0xe8: {  	_ =	swait.ge @!p0 [sflag:s13], $0x10  }
0xe9: {  	[sflag:s13] =	ssyncset.done @!p0 $0x0  }
0xea: {  	[sflag:s13] =	ssyncadd.s32 @!p0 $0xFFFFFFF0  }
0xeb: {  	_ =	sfence.sel $0x180000  }
0xec: {  	[bflag:$0x0] =	sbarrier.arrive $0xFFFF  }
0xed: {  	_ =	strace $0x90000047  }
0xee: {  	s0 =	sadd.s32 @!p0 $0x100000, s0;
	[bflag:$0x2] =	sbarrier.arrive $0xFFFF  }
0xef: {  	[sflag:s0] =	ssyncadd.tile.s32 @!p0 $0x1;
	_ =	shalt  }
.Lfunc_end2:
_tile_overlayer_lowered:
.L_overlay_start_2:
0xf0: {  	(tag) =	ssettag $0x2  }
0xf1: {  	s0 =	rddreg [dreg:$0x0];
	s2 =	stileid.u32  }
0xf2: {  	s1 =	rddreg [dreg:$0x1];
	p0 =	sne.s32 s2, $0x0  }
0xf3: {  	s3 =	rddreg [dreg:$0x2];
	[bflag:$0x3] =	sbarrier.arrive $0xFFFF;
	s2 =	simm.s32 @!p0 $0x1C01  }
0xf4: {  	[timem:s3], [sflag:s2] =	dma.local @!p0 [hbm:s0], s1  }
0xf5: {  	s0 =	simm.s32 @!p0 $0x1  }
0xf6: {  	_ =	swait.ge @!p0 [sflag:s0], s1  }
0xf7: {  	s1 =	ssub.s32 @!p0 $0x0, s1;
	[sflag:s0] =	ssyncset.done @!p0 $0x0  }
0xf8: {  	[sflag:s0] =	ssyncadd.s32 @!p0 s1  }
0xf9: {  	[bflag:$0x3] =	sbarrier.arrive $0xFFFF  }
0xfa: {  	_ =	shalt  }

</sc_bundles>
